<compile_context>
chip_gen: v7x
topology: tpu7x:2x2x1
jax: 0.10.2.dev20260603
libtpu: 0.0.44.dev20260713+nightly
codegen_flags: <defaults>
</compile_context>

<pallas_src>
import functools

import jax
import jax.numpy as jnp
from jax import lax
from jax.experimental import pallas as pl
from jax.experimental.pallas import tpu as pltpu
from jax.experimental.pallas import tpu_sc as plsc

N = 10000
N2 = N + 16
E = 160000
E_PAD = 163840
DH = 256
DHH = 128
P = 64
NC = 2
NS = 16
CHUNK = 128
ROWS_T = 624
ROWS_TAIL = N2 - ROWS_T * NS

_f32 = jnp.float32


def _sc_mesh():
    return plsc.VectorSubcoreMesh(core_axis_name="c", subcore_axis_name="s")


def _rows_copy(src_ref, dst_ref, s):
    r0 = pl.multiple_of(s * ROWS_T, 8)
    pltpu.sync_copy(src_ref.at[pl.ds(r0, ROWS_T)], dst_ref.at[pl.ds(r0, ROWS_T)])

    @pl.when(s == NS - 1)
    def _():
        t0 = ROWS_T * NS
        pltpu.sync_copy(src_ref.at[pl.ds(t0, ROWS_TAIL)],
                        dst_ref.at[pl.ds(t0, ROWS_TAIL)])


def _deg_body(dst_hbm, ones_hbm, zeros_hbm, deg_a, deg_b, idx_v, ones_v,
              shared, sem):
    c = lax.axis_index("c")
    s = lax.axis_index("s")
    _rows_copy(zeros_hbm, shared, s)
    pltpu.sync_copy(ones_hbm, ones_v)
    plsc.subcore_barrier()

    wid = c * NS + s
    n_chunks = E_PAD // (NC * NS * CHUNK)

    def chunk(j, _):
        base = pl.multiple_of(wid * (E_PAD // (NC * NS)) + j * CHUNK, 8)
        pltpu.sync_copy(dst_hbm.at[pl.ds(base, CHUNK)], idx_v)
        pltpu.sync_copy(ones_v, shared.at[idx_v], add=True)
        return 0

    lax.fori_loop(0, n_chunks, chunk, 0)
    plsc.subcore_barrier()

    @pl.when(c == 0)
    def _():
        _rows_copy(shared, deg_a, s)

    @pl.when(c == 1)
    def _():
        _rows_copy(shared, deg_b, s)


@jax.jit
def _deg_call(dst, ones, zeros128):
    k = functools.partial(
        pl.kernel,
        mesh=_sc_mesh(),
        out_type=[jax.ShapeDtypeStruct((N2, DHH), _f32),
                  jax.ShapeDtypeStruct((N2, DHH), _f32)],
        scratch_types=[pltpu.VMEM((CHUNK,), jnp.int32),
                       pltpu.VMEM((CHUNK, DHH), _f32),
                       pltpu.VMEM_SHARED((N2, DHH), _f32),
                       pltpu.SemaphoreType.DMA],
    )(_deg_body)
    return k(dst, ones, zeros128)


def _conv_body(src_hbm, dst_hbm, ta_hbm, tb_hbm, zeros_hbm, out_a, out_b,
               src_a, dst_a, src_b, dst_b, rows_a, rows_b, shared,
               sem_a, sem_b):
    c = lax.axis_index("c")
    s = lax.axis_index("s")
    _rows_copy(zeros_hbm, shared, s)
    plsc.subcore_barrier()

    e_per_tile = E_PAD // NS
    n_chunks = e_per_tile // CHUNK
    n_pairs = n_chunks // 2

    def sweep(tbl):
        def load_issue(j, src_v, dst_v, rows_v, sem):
            base = pl.multiple_of(s * e_per_tile + j * CHUNK, 8)
            pltpu.sync_copy(src_hbm.at[pl.ds(base, CHUNK)], src_v)
            pltpu.sync_copy(dst_hbm.at[pl.ds(base, CHUNK)], dst_v)
            return pltpu.async_copy(tbl.at[src_v], rows_v, sem)

        def pair(k, _):
            cp_a = load_issue(2 * k, src_a, dst_a, rows_a, sem_a)
            cp_b = load_issue(2 * k + 1, src_b, dst_b, rows_b, sem_b)
            cp_a.wait()
            pltpu.sync_copy(rows_a, shared.at[dst_a], add=True)
            cp_b.wait()
            pltpu.sync_copy(rows_b, shared.at[dst_b], add=True)
            return 0

        lax.fori_loop(0, n_pairs, pair, 0)

    @pl.when(c == 0)
    def _():
        sweep(ta_hbm)

    @pl.when(c == 1)
    def _():
        sweep(tb_hbm)

    plsc.subcore_barrier()

    @pl.when(c == 0)
    def _():
        _rows_copy(shared, out_a, s)

    @pl.when(c == 1)
    def _():
        _rows_copy(shared, out_b, s)


@jax.jit
def _conv_call(src, dst, ta, tb, zeros128):
    k = functools.partial(
        pl.kernel,
        mesh=_sc_mesh(),
        out_type=[jax.ShapeDtypeStruct((N2, DHH), _f32),
                  jax.ShapeDtypeStruct((N2, DHH), _f32)],
        scratch_types=[pltpu.VMEM((CHUNK,), jnp.int32),
                       pltpu.VMEM((CHUNK,), jnp.int32),
                       pltpu.VMEM((CHUNK,), jnp.int32),
                       pltpu.VMEM((CHUNK,), jnp.int32),
                       pltpu.VMEM((CHUNK, DHH), _f32),
                       pltpu.VMEM((CHUNK, DHH), _f32),
                       pltpu.VMEM_SHARED((N2, DHH), _f32),
                       pltpu.SemaphoreType.DMA,
                       pltpu.SemaphoreType.DMA],
    )(_conv_body)
    return k(src, dst, ta, tb, zeros128)


def _edge_head_body(src_hbm, dst_hbm, ps_h, pd_h, iota_hbm,
                    g_hbm, i1, i2, ident, a_v, b_v, shared, sem1, sem2):
    c = lax.axis_index("c")
    s = lax.axis_index("s")
    wid = c * NS + s
    e_per_w = E_PAD // (NC * NS)
    n_chunks = e_per_w // CHUNK
    pltpu.sync_copy(iota_hbm.at[s], ident)
    r0 = s * CHUNK

    def chunk(j, _):
        base = pl.multiple_of(wid * e_per_w + j * CHUNK, 8)
        pltpu.sync_copy(src_hbm.at[pl.ds(base, CHUNK)], i1)
        pltpu.sync_copy(dst_hbm.at[pl.ds(base, CHUNK)], i2)
        cp1 = pltpu.async_copy(ps_h.at[i1], a_v, sem1)
        cp2 = pltpu.async_copy(pd_h.at[i2], b_v, sem2)
        cp1.wait()
        cp2.wait()
        pltpu.sync_copy(a_v, shared.at[pl.ds(r0, CHUNK)])
        pltpu.sync_copy(b_v, shared.at[ident], add=True)
        pltpu.sync_copy(shared.at[pl.ds(r0, CHUNK)], g_hbm.at[pl.ds(base, CHUNK)])
        return 0

    lax.fori_loop(0, n_chunks, chunk, 0)


@jax.jit
def _edge_head_call(src_p, dst_p, ps128, pd128, iota2d):
    k = functools.partial(
        pl.kernel,
        mesh=_sc_mesh(),
        out_type=jax.ShapeDtypeStruct((E_PAD, DHH), _f32),
        scratch_types=[pltpu.VMEM((CHUNK,), jnp.int32),
                       pltpu.VMEM((CHUNK,), jnp.int32),
                       pltpu.VMEM((CHUNK,), jnp.int32),
                       pltpu.VMEM((CHUNK, DHH), _f32),
                       pltpu.VMEM((CHUNK, DHH), _f32),
                       pltpu.VMEM_SHARED((NS * CHUNK, DHH), _f32),
                       pltpu.SemaphoreType.DMA,
                       pltpu.SemaphoreType.DMA],
    )(_edge_head_body)
    return k(src_p, dst_p, ps128, pd128, iota2d)


def _bn_cols(h, g, beta):
    mu = jnp.mean(h, axis=0, keepdims=True)
    var = jnp.mean((h - mu) ** 2, axis=0, keepdims=True)
    return g[None, :] * (h - mu) * lax.rsqrt(var + 1e-5) + beta[None, :]


def _stage1_body(deg_a, deg_b, x, w1, t1a, t1b, dis_out):
    deg = deg_a[...][:N, :1] + deg_b[...][:N, :1]
    dis = jnp.where(deg > 0, lax.rsqrt(deg), 0.0)
    m = jnp.dot(x[...], w1[...], preferred_element_type=_f32)
    t = dis * m
    t1a[...] = t[:, :DHH]
    t1b[...] = t[:, DHH:]
    dis_out[...] = dis


@jax.jit
def _stage1_call(deg_a, deg_b, x, w1):
    return pl.pallas_call(
        _stage1_body,
        out_shape=[jax.ShapeDtypeStruct((N, DHH), _f32),
                   jax.ShapeDtypeStruct((N, DHH), _f32),
                   jax.ShapeDtypeStruct((N, 1), _f32)],
    )(deg_a, deg_b, x, w1)


def _stage2_body(sa, sb, dis, b, g, beta, w2, out_a, out_b):
    h = jnp.concatenate([sa[...][:N], sb[...][:N]], axis=1)
    h = jnp.maximum(dis[...] * h + b[...][None, :], 0.0)
    hn = _bn_cols(h, g[...], beta[...])
    t = dis[...] * jnp.dot(hn, w2[...], preferred_element_type=_f32)
    out_a[...] = t[:, :DHH]
    out_b[...] = t[:, DHH:]


@jax.jit
def _stage2_call(sa, sb, dis, b1, g1, beta1, w2):
    return pl.pallas_call(
        _stage2_body,
        out_shape=[jax.ShapeDtypeStruct((N, DHH), _f32),
                   jax.ShapeDtypeStruct((N, DHH), _f32)],
    )(sa, sb, dis, b1, g1, beta1, w2)


def _stage3_body(sa, sb, dis, b, g, beta, wsrc, wdst, pat, wp,
                 ps_o, pd_o, pp_o):
    h = jnp.concatenate([sa[...][:N], sb[...][:N]], axis=1)
    h = jnp.maximum(dis[...] * h + b[...][None, :], 0.0)
    hn = _bn_cols(h, g[...], beta[...])
    ps_o[...] = jnp.dot(hn, wsrc[...], preferred_element_type=_f32)
    pd_o[...] = jnp.dot(hn, wdst[...], preferred_element_type=_f32)
    pp_o[...] = jnp.dot(pat[...], wp[...], preferred_element_type=_f32)


@jax.jit
def _stage3_call(sa, sb, dis, b2, g2, beta2, wsrc128, wdst128, pat, wp128):
    return pl.pallas_call(
        _stage3_body,
        out_shape=[jax.ShapeDtypeStruct((N, DHH), _f32),
                   jax.ShapeDtypeStruct((N, DHH), _f32),
                   jax.ShapeDtypeStruct((P, DHH), _f32)],
    )(sa, sb, dis, b2, g2, beta2, wsrc128, wdst128, pat, wp128)


K4 = 16
EC = E_PAD // K4


def _stage4a_body(g, bfc, ebi, pp, e_o, s1_o, s2_o):
    k = pl.program_id(0)
    row = k * EC + lax.broadcasted_iota(jnp.int32, (EC, 1), 0)
    valid = (row < E).astype(_f32)
    onehot = (ebi[...] == lax.broadcasted_iota(jnp.int32, (1, P), 1)
              ).astype(_f32)
    ppe = jnp.dot(onehot, pp[...][:, :2], preferred_element_type=_f32)
    e = g[...][:, :2] + ppe + bfc[...][None, :]
    e_o[...] = e
    ev = e * valid
    s1_o[...] = jnp.sum(ev, axis=0)[None, None, :]
    s2_o[...] = jnp.sum(ev * e, axis=0)[None, None, :]


@jax.jit
def _stage4a_call(g, bfc, ebi2d, pp128):
    return pl.pallas_call(
        _stage4a_body,
        grid=(K4,),
        in_specs=[pl.BlockSpec((EC, DHH), lambda k: (k, 0)),
                  pl.BlockSpec((2,), lambda k: (0,)),
                  pl.BlockSpec((EC, 1), lambda k: (k, 0)),
                  pl.BlockSpec((P, DHH), lambda k: (0, 0))],
        out_specs=[pl.BlockSpec((EC, 2), lambda k: (k, 0)),
                   pl.BlockSpec((1, 1, 2), lambda k: (k, 0, 0)),
                   pl.BlockSpec((1, 1, 2), lambda k: (k, 0, 0))],
        out_shape=[jax.ShapeDtypeStruct((E_PAD, 2), _f32),
                   jax.ShapeDtypeStruct((K4, 1, 2), _f32),
                   jax.ShapeDtypeStruct((K4, 1, 2), _f32)],
    )(g, bfc, ebi2d, pp128)


def _stage4b_body(e, s1, s2, ge, betae, out):
    mu = jnp.sum(s1[...][:, 0, :], axis=0)[None, :] / E
    var = jnp.sum(s2[...][:, 0, :], axis=0)[None, :] / E - mu * mu
    out[...] = (ge[...][None, :] * (e[...] - mu) * lax.rsqrt(var + 1e-5)
                + betae[...][None, :])


@jax.jit
def _stage4b_call(e, s1, s2, ge, betae):
    return pl.pallas_call(
        _stage4b_body,
        grid=(K4,),
        in_specs=[pl.BlockSpec((EC, 2), lambda k: (k, 0)),
                  pl.BlockSpec((K4, 1, 2), lambda k: (0, 0, 0)),
                  pl.BlockSpec((K4, 1, 2), lambda k: (0, 0, 0)),
                  pl.BlockSpec((2,), lambda k: (0,)),
                  pl.BlockSpec((2,), lambda k: (0,))],
        out_specs=pl.BlockSpec((EC, 2), lambda k: (k, 0)),
        out_shape=jax.ShapeDtypeStruct((E_PAD, 2), _f32),
    )(e, s1, s2, ge, betae)


def kernel(x, edge_index, batch_index, patient_encoder_output, edgebindex,
           W1, b1, g1, beta1, W2, b2, g2, beta2, W_fc, b_fc, g_e, beta_e):
    pad0 = jnp.zeros((E_PAD - E,), jnp.int32)
    padn = jnp.full((E_PAD - E,), N, jnp.int32)
    src = jnp.concatenate([edge_index[0], pad0])
    dst = jnp.concatenate([edge_index[1], padn])
    dst_eh = jnp.concatenate([edge_index[1], pad0])
    ebi2d = jnp.concatenate([edgebindex, pad0])[:, None]
    ones = jnp.ones((CHUNK, DHH), _f32)
    zeros128 = jnp.zeros((N2, DHH), _f32)
    padc = jnp.zeros((DH, DHH - 2), _f32)
    wsrc128 = jnp.concatenate([W_fc[:DH], padc], axis=1)
    wdst128 = jnp.concatenate([W_fc[DH:2 * DH], padc], axis=1)
    wp128 = jnp.concatenate([W_fc[2 * DH:], padc[:P + P]], axis=1)
    iota2d = jnp.arange(NS * CHUNK, dtype=jnp.int32).reshape(NS, CHUNK)

    deg_a, deg_b = _deg_call(dst, ones, zeros128)
    t1a, t1b, dis = _stage1_call(deg_a, deg_b, x, W1)
    s1a, s1b = _conv_call(src, dst, t1a, t1b, zeros128)
    t2a, t2b = _stage2_call(s1a, s1b, dis, b1, g1, beta1, W2)
    s2a, s2b = _conv_call(src, dst, t2a, t2b, zeros128)
    ps128, pd128, pp128 = _stage3_call(s2a, s2b, dis, b2, g2, beta2,
                                       wsrc128, wdst128,
                                       patient_encoder_output, wp128)
    ge_rows = _edge_head_call(src, dst_eh, ps128, pd128, iota2d)
    e, s1, s2 = _stage4a_call(ge_rows, b_fc, ebi2d, pp128)
    return _stage4b_call(e, s1, s2, g_e, beta_e)[:E]

# --- scband reference (transcript-rebuilt; emitter-appended) ---
"""Pipeline reference for scband-gcn-encoder-9105330668287 (READ-ONLY COPY).

The authoritative reference and input builder live on the scoring server;
editing this copy changes nothing except your own understanding.
"""

import jax, jax.numpy as jnp
import numpy as np

N_NODES = 10000
N_EDGES = 160000
N_PATIENTS = 64
D_IN = 256
D_H = 256
D_P = 128


def _gcn_conv(x, src, dst, W, b):
    # PyG GCNConv with add_self_loops=False: sym-normalized aggregation
    deg = jax.ops.segment_sum(jnp.ones(src.shape[0], jnp.float32), dst, num_segments=N_NODES)
    dis = jnp.where(deg > 0, 1.0 / jnp.sqrt(deg), 0.0)
    norm = dis[src] * dis[dst]
    h = x @ W
    out = jax.ops.segment_sum(norm[:, None] * h[src], dst, num_segments=N_NODES)
    return out + b


def _bn(x, gamma, beta, eps=1e-5):
    # BatchNorm1d in training mode (batch statistics, biased variance)
    mean = jnp.mean(x, axis=0)
    var = jnp.mean((x - mean) ** 2, axis=0)
    return gamma * (x - mean) / jnp.sqrt(var + eps) + beta


def setup_inputs(seed: int = 0):
    key = jax.random.key(seed)
    ks = jax.random.split(key, 10)
    inp = {}
    inp["x"] = jax.random.normal(ks[0], (N_NODES, D_IN), dtype=jnp.float32)
    inp["edge_index"] = jax.random.randint(ks[1], (2, N_EDGES), 0, N_NODES, dtype=jnp.int32)
    inp["batch_index"] = jnp.sort(jax.random.randint(ks[2], (N_NODES,), 0, N_PATIENTS, dtype=jnp.int32))
    inp["patient_encoder_output"] = jax.random.normal(ks[3], (N_PATIENTS, D_P), dtype=jnp.float32)
    inp["edgebindex"] = jnp.sort(jax.random.randint(ks[4], (N_EDGES,), 0, N_PATIENTS, dtype=jnp.int32))
    inp["W1"] = jax.random.normal(ks[5], (D_IN, D_H), dtype=jnp.float32) / np.sqrt(D_IN)
    inp["b1"] = jnp.zeros((D_H,), jnp.float32)
    inp["g1"] = jnp.ones((D_H,), jnp.float32)
    inp["beta1"] = jnp.zeros((D_H,), jnp.float32)
    inp["W2"] = jax.random.normal(ks[6], (D_H, D_H), dtype=jnp.float32) / np.sqrt(D_H)
    inp["b2"] = jnp.zeros((D_H,), jnp.float32)
    inp["g2"] = jnp.ones((D_H,), jnp.float32)
    inp["beta2"] = jnp.zeros((D_H,), jnp.float32)
    inp["W_fc"] = jax.random.normal(ks[7], (2 * D_H + D_P, 2), dtype=jnp.float32) / np.sqrt(2 * D_H + D_P)
    inp["b_fc"] = jnp.zeros((2,), jnp.float32)
    inp["g_e"] = jnp.ones((2,), jnp.float32)
    inp["beta_e"] = jnp.zeros((2,), jnp.float32)
    return inp


def reference(x, edge_index, batch_index, patient_encoder_output, edgebindex, W1, b1, g1, beta1, W2, b2, g2, beta2, W_fc, b_fc, g_e, beta_e):
    # forward_edge path of GCN_Encoder (batch_index unused on edge path, kept for signature fidelity)
    src = edge_index[0]
    dst = edge_index[1]
    h = jax.nn.relu(_gcn_conv(x, src, dst, W1, b1))
    h = _bn(h, g1, beta1)
    h = jax.nn.relu(_gcn_conv(h, src, dst, W2, b2))
    h = _bn(h, g2, beta2)
    src_node_embed = h[src]
    tgt_node_embed = h[dst]
    patient_output_align = patient_encoder_output[edgebindex]
    edge_embed = jnp.concatenate([src_node_embed, tgt_node_embed, patient_output_align], axis=1)
    edge_prob = edge_embed @ W_fc + b_fc
    edge_prob = _bn(edge_prob, g_e, beta_e)
    return edge_prob


if False:  # reference __main__ guard neutralized (emitter)
    out = reference(**setup_inputs())
    print(out.shape)

if __name__ == "__main__":
    import jax
    _d = setup_inputs()
    print(jax.jit(kernel)(*tuple(_d.values())))

</pallas_src>

<mosaic_0001>
#map = affine_map<(d0, d1) -> (0)>
#map1 = affine_map<(d0, d1) -> (0, 0)>
module attributes {stable_mosaic.version = 14 : i64} {
  func.func @_deg_body(%arg0: i32, %arg1: i32, %arg2: memref<163840xi32, #tpu.memory_space<hbm>>, %arg3: memref<128x128xf32, #tpu.memory_space<hbm>>, %arg4: memref<10016x128xf32, #tpu.memory_space<hbm>>, %arg5: memref<10016x128xf32, #tpu.memory_space<hbm>>, %arg6: memref<10016x128xf32, #tpu.memory_space<hbm>>, %arg7: memref<128xi32, #tpu.memory_space<vmem>>, %arg8: memref<128x128xf32, #tpu.memory_space<vmem>>, %arg9: memref<10016x128xf32, #tpu.memory_space<vmem_shared>>, %arg10: memref<!tpu.dma_semaphore, #tpu.memory_space<semaphore_mem>>) attributes {dimension_semantics = [#tpu.dimension_semantics<core_parallel>, #tpu.dimension_semantics<subcore_parallel>], iteration_bounds = array<i64: 2, 16>, scalar_prefetch = 0 : i64, scratch_operands = 4 : i64, tpu.core_type = #tpu.core_type<sc_vector_subcore>, window_params = [{transform_indices = #map}, {transform_indices = #map1}, {transform_indices = #map1}, {transform_indices = #map1}, {transform_indices = #map1}]} {
    %mul3A = arith.constant 624 : i32
    %mul3A_0 = arith.muli %arg1, %mul3A : i32
    %multiple_of3A = tpu.assume_multiple %mul3A_0, 8 : i32
    "tpu.region"() ({
      %run_scoped3A = tpu.sem_alloc : memref<!tpu.dma_semaphore, #tpu.memory_space<semaphore_mem>>
      %dma_start3A = arith.constant 0 : i32
      %dma_start3A_22 = tpu.memref_slice %arg9[%multiple_of3A, %dma_start3A] : memref<10016x128xf32, #tpu.memory_space<vmem_shared>> -> memref<624x128xf32, #tpu.memory_space<vmem_shared>>
      %dma_start3A_23 = arith.constant 0 : i32
      %dma_start3A_24 = tpu.memref_slice %arg4[%multiple_of3A, %dma_start3A_23] : memref<10016x128xf32, #tpu.memory_space<hbm>> -> memref<624x128xf32, #tpu.memory_space<hbm>>
      tpu.enqueue_dma source(%dma_start3A_24 : memref<624x128xf32, #tpu.memory_space<hbm>>) target(%dma_start3A_22 : memref<624x128xf32, #tpu.memory_space<vmem_shared>>) target_semaphore(%run_scoped3A : memref<!tpu.dma_semaphore, #tpu.memory_space<semaphore_mem>>)
      %dma_wait3A = arith.constant 0 : i32
      %dma_wait3A_25 = tpu.memref_slice %arg9[%multiple_of3A, %dma_wait3A] : memref<10016x128xf32, #tpu.memory_space<vmem_shared>> -> memref<624x128xf32, #tpu.memory_space<vmem_shared>>
      %dma_wait3A_26 = arith.constant 0 : i32
      %dma_wait3A_27 = tpu.memref_slice %arg4[%multiple_of3A, %dma_wait3A_26] : memref<10016x128xf32, #tpu.memory_space<hbm>> -> memref<624x128xf32, #tpu.memory_space<hbm>>
      tpu.wait_dma2 semaphore(%run_scoped3A : memref<!tpu.dma_semaphore, #tpu.memory_space<semaphore_mem>>) src(%dma_wait3A_27 : memref<624x128xf32, #tpu.memory_space<hbm>>) dst(%dma_wait3A_25 : memref<624x128xf32, #tpu.memory_space<vmem_shared>>)
      tpu.yield
    }) : () -> ()
    %eq3A = arith.constant 15 : i32
    %eq3A_1 = arith.cmpi eq, %arg1, %eq3A : i32
    %convert_element_type3A = arith.extui %eq3A_1 : i1 to i32
    %cond3A = arith.constant 0 : i32
    %cond3A_2 = arith.cmpi ne, %convert_element_type3A, %cond3A : i32
    scf.if %cond3A_2 {
      "tpu.region"() ({
        %run_scoped3A = tpu.sem_alloc : memref<!tpu.dma_semaphore, #tpu.memory_space<semaphore_mem>>
        %dma_start3A = arith.constant 9984 : i32
        %dma_start3A_22 = arith.constant 0 : i32
        %dma_start3A_23 = tpu.memref_slice %arg9[%dma_start3A, %dma_start3A_22] : memref<10016x128xf32, #tpu.memory_space<vmem_shared>> -> memref<32x128xf32, #tpu.memory_space<vmem_shared>>
        %dma_start3A_24 = arith.constant 9984 : i32
        %dma_start3A_25 = arith.constant 0 : i32
        %dma_start3A_26 = tpu.memref_slice %arg4[%dma_start3A_24, %dma_start3A_25] : memref<10016x128xf32, #tpu.memory_space<hbm>> -> memref<32x128xf32, #tpu.memory_space<hbm>>
        tpu.enqueue_dma source(%dma_start3A_26 : memref<32x128xf32, #tpu.memory_space<hbm>>) target(%dma_start3A_23 : memref<32x128xf32, #tpu.memory_space<vmem_shared>>) target_semaphore(%run_scoped3A : memref<!tpu.dma_semaphore, #tpu.memory_space<semaphore_mem>>)
        %dma_wait3A = arith.constant 9984 : i32
        %dma_wait3A_27 = arith.constant 0 : i32
        %dma_wait3A_28 = tpu.memref_slice %arg9[%dma_wait3A, %dma_wait3A_27] : memref<10016x128xf32, #tpu.memory_space<vmem_shared>> -> memref<32x128xf32, #tpu.memory_space<vmem_shared>>
        %dma_wait3A_29 = arith.constant 9984 : i32
        %dma_wait3A_30 = arith.constant 0 : i32
        %dma_wait3A_31 = tpu.memref_slice %arg4[%dma_wait3A_29, %dma_wait3A_30] : memref<10016x128xf32, #tpu.memory_space<hbm>> -> memref<32x128xf32, #tpu.memory_space<hbm>>
        tpu.wait_dma2 semaphore(%run_scoped3A : memref<!tpu.dma_semaphore, #tpu.memory_space<semaphore_mem>>) src(%dma_wait3A_31 : memref<32x128xf32, #tpu.memory_space<hbm>>) dst(%dma_wait3A_28 : memref<32x128xf32, #tpu.memory_space<vmem_shared>>)
        tpu.yield
      }) : () -> ()
    } else {
    }
    "tpu.region"() ({
      %run_scoped3A = tpu.sem_alloc : memref<!tpu.dma_semaphore, #tpu.memory_space<semaphore_mem>>
      tpu.enqueue_dma source(%arg3 : memref<128x128xf32, #tpu.memory_space<hbm>>) target(%arg8 : memref<128x128xf32, #tpu.memory_space<vmem>>) target_semaphore(%run_scoped3A : memref<!tpu.dma_semaphore, #tpu.memory_space<semaphore_mem>>)
      tpu.wait_dma2 semaphore(%run_scoped3A : memref<!tpu.dma_semaphore, #tpu.memory_space<semaphore_mem>>) src(%arg3 : memref<128x128xf32, #tpu.memory_space<hbm>>) dst(%arg8 : memref<128x128xf32, #tpu.memory_space<vmem>>)
      tpu.yield
    }) : () -> ()
    %barrier3A = arith.constant 0 : index
    tpu.barrier barrier_id(%barrier3A)
    %mul3A_3 = arith.constant 16 : i32
    %mul3A_4 = arith.muli %arg0, %mul3A_3 : i32
    %add3A = arith.addi %mul3A_4, %arg1 : i32
    %scan3A = arith.constant 0 : i32
    %scan3A_5 = arith.constant 0 : i32
    %scan3A_6 = arith.constant 40 : i32
    %scan3A_7 = arith.addi %scan3A_5, %scan3A_6 : i32
    %scan3A_8 = arith.constant 1 : i32
    %scan3A_9 = scf.for %scan3A_22 = %scan3A_5 to %scan3A_7 step %scan3A_8 iter_args(%scan3A_23 = %scan3A) -> (i32)  : i32 {
      %mul3A_24 = arith.constant 5120 : i32
      %mul3A_25 = arith.muli %add3A, %mul3A_24 : i32
      %mul3A_26 = arith.constant 128 : i32
      %mul3A_27 = arith.muli %scan3A_22, %mul3A_26 : i32
      %add3A_28 = arith.addi %mul3A_25, %mul3A_27 : i32
      %multiple_of3A_29 = tpu.assume_multiple %add3A_28, 8 : i32
      "tpu.region"() ({
        %run_scoped3A = tpu.sem_alloc : memref<!tpu.dma_semaphore, #tpu.memory_space<semaphore_mem>>
        %dma_start3A = tpu.memref_slice %arg2[%multiple_of3A_29] : memref<163840xi32, #tpu.memory_space<hbm>> -> memref<128xi32, #tpu.memory_space<hbm>>
        %dma_start3A_31 = tpu.memref_slice %arg2[%multiple_of3A_29] : memref<163840xi32, #tpu.memory_space<hbm>> -> memref<128xi32, #tpu.memory_space<hbm>>
        tpu.enqueue_dma source(%dma_start3A_31 : memref<128xi32, #tpu.memory_space<hbm>>) target(%arg7 : memref<128xi32, #tpu.memory_space<vmem>>) target_semaphore(%run_scoped3A : memref<!tpu.dma_semaphore, #tpu.memory_space<semaphore_mem>>)
        %dma_wait3A = tpu.memref_slice %arg2[%multiple_of3A_29] : memref<163840xi32, #tpu.memory_space<hbm>> -> memref<128xi32, #tpu.memory_space<hbm>>
        %dma_wait3A_32 = tpu.memref_slice %arg2[%multiple_of3A_29] : memref<163840xi32, #tpu.memory_space<hbm>> -> memref<128xi32, #tpu.memory_space<hbm>>
        tpu.wait_dma2 semaphore(%run_scoped3A : memref<!tpu.dma_semaphore, #tpu.memory_space<semaphore_mem>>) src(%dma_wait3A_32 : memref<128xi32, #tpu.memory_space<hbm>>) dst(%arg7 : memref<128xi32, #tpu.memory_space<vmem>>)
        tpu.yield
      }) : () -> ()
      "tpu.region"() ({
        %run_scoped3A = tpu.sem_alloc : memref<!tpu.dma_semaphore, #tpu.memory_space<semaphore_mem>>
        %dma_start3A = arith.constant 0 : i32
        %dma_start3A_31 = arith.constant 0 : i32
        %dma_start3A_32 = tpu.memref_slice %arg9[%dma_start3A, %dma_start3A_31] : memref<10016x128xf32, #tpu.memory_space<vmem_shared>> -> memref<10016x128xf32, #tpu.memory_space<vmem_shared>>
        tpu.enqueue_indirect_dma source(%arg8 : memref<128x128xf32, #tpu.memory_space<vmem>>) target(%dma_start3A_32 : memref<10016x128xf32, #tpu.memory_space<vmem_shared>>) offsets(%arg7 : memref<128xi32, #tpu.memory_space<vmem>>) semaphore(%run_scoped3A : memref<!tpu.dma_semaphore, #tpu.memory_space<semaphore_mem>>) {add = true}
        %dma_wait3A = arith.constant 0 : i32
        %dma_wait3A_33 = arith.constant 0 : i32
        %dma_wait3A_34 = tpu.memref_slice %arg9[%dma_wait3A, %dma_wait3A_33] : memref<10016x128xf32, #tpu.memory_space<vmem_shared>> -> memref<10016x128xf32, #tpu.memory_space<vmem_shared>>
        tpu.wait_indirect_dma semaphore(%run_scoped3A : memref<!tpu.dma_semaphore, #tpu.memory_space<semaphore_mem>>) src(%arg8 : memref<128x128xf32, #tpu.memory_space<vmem>>) dst(%dma_wait3A_34 : memref<10016x128xf32, #tpu.memory_space<vmem_shared>>)
        tpu.yield
      }) : () -> ()
      %scan3A_30 = arith.constant 0 : i32
      scf.yield %scan3A_30 : i32
    }
    %scan3A_10 = arith.constant 40 : i32
    %barrier3A_11 = arith.constant 0 : index
    tpu.barrier barrier_id(%barrier3A_11)
    %eq3A_12 = arith.constant 0 : i32
    %eq3A_13 = arith.cmpi eq, %arg0, %eq3A_12 : i32
    %convert_element_type3A_14 = arith.extui %eq3A_13 : i1 to i32
    %cond3A_15 = arith.constant 0 : i32
    %cond3A_16 = arith.cmpi ne, %convert_element_type3A_14, %cond3A_15 : i32
    scf.if %cond3A_16 {
      %mul3A_22 = arith.constant 624 : i32
      %mul3A_23 = arith.muli %arg1, %mul3A_22 : i32
      %multiple_of3A_24 = tpu.assume_multiple %mul3A_23, 8 : i32
      "tpu.region"() ({
        %run_scoped3A = tpu.sem_alloc : memref<!tpu.dma_semaphore, #tpu.memory_space<semaphore_mem>>
        %dma_start3A = arith.constant 0 : i32
        %dma_start3A_30 = tpu.memref_slice %arg5[%multiple_of3A_24, %dma_start3A] : memref<10016x128xf32, #tpu.memory_space<hbm>> -> memref<624x128xf32, #tpu.memory_space<hbm>>
        %dma_start3A_31 = arith.constant 0 : i32
        %dma_start3A_32 = tpu.memref_slice %arg9[%multiple_of3A_24, %dma_start3A_31] : memref<10016x128xf32, #tpu.memory_space<vmem_shared>> -> memref<624x128xf32, #tpu.memory_space<vmem_shared>>
        tpu.enqueue_dma source(%dma_start3A_32 : memref<624x128xf32, #tpu.memory_space<vmem_shared>>) target(%dma_start3A_30 : memref<624x128xf32, #tpu.memory_space<hbm>>) target_semaphore(%run_scoped3A : memref<!tpu.dma_semaphore, #tpu.memory_space<semaphore_mem>>)
        %dma_wait3A = arith.constant 0 : i32
        %dma_wait3A_33 = tpu.memref_slice %arg5[%multiple_of3A_24, %dma_wait3A] : memref<10016x128xf32, #tpu.memory_space<hbm>> -> memref<624x128xf32, #tpu.memory_space<hbm>>
        %dma_wait3A_34 = arith.constant 0 : i32
        %dma_wait3A_35 = tpu.memref_slice %arg9[%multiple_of3A_24, %dma_wait3A_34] : memref<10016x128xf32, #tpu.memory_space<vmem_shared>> -> memref<624x128xf32, #tpu.memory_space<vmem_shared>>
        tpu.wait_dma2 semaphore(%run_scoped3A : memref<!tpu.dma_semaphore, #tpu.memory_space<semaphore_mem>>) src(%dma_wait3A_35 : memref<624x128xf32, #tpu.memory_space<vmem_shared>>) dst(%dma_wait3A_33 : memref<624x128xf32, #tpu.memory_space<hbm>>)
        tpu.yield
      }) : () -> ()
      %eq3A_25 = arith.constant 15 : i32
      %eq3A_26 = arith.cmpi eq, %arg1, %eq3A_25 : i32
      %convert_element_type3A_27 = arith.extui %eq3A_26 : i1 to i32
      %cond3A_28 = arith.constant 0 : i32
      %cond3A_29 = arith.cmpi ne, %convert_element_type3A_27, %cond3A_28 : i32
      scf.if %cond3A_29 {
        "tpu.region"() ({
          %run_scoped3A = tpu.sem_alloc : memref<!tpu.dma_semaphore, #tpu.memory_space<semaphore_mem>>
          %dma_start3A = arith.constant 9984 : i32
          %dma_start3A_30 = arith.constant 0 : i32
          %dma_start3A_31 = tpu.memref_slice %arg5[%dma_start3A, %dma_start3A_30] : memref<10016x128xf32, #tpu.memory_space<hbm>> -> memref<32x128xf32, #tpu.memory_space<hbm>>
          %dma_start3A_32 = arith.constant 9984 : i32
          %dma_start3A_33 = arith.constant 0 : i32
          %dma_start3A_34 = tpu.memref_slice %arg9[%dma_start3A_32, %dma_start3A_33] : memref<10016x128xf32, #tpu.memory_space<vmem_shared>> -> memref<32x128xf32, #tpu.memory_space<vmem_shared>>
          tpu.enqueue_dma source(%dma_start3A_34 : memref<32x128xf32, #tpu.memory_space<vmem_shared>>) target(%dma_start3A_31 : memref<32x128xf32, #tpu.memory_space<hbm>>) target_semaphore(%run_scoped3A : memref<!tpu.dma_semaphore, #tpu.memory_space<semaphore_mem>>)
          %dma_wait3A = arith.constant 9984 : i32
          %dma_wait3A_35 = arith.constant 0 : i32
          %dma_wait3A_36 = tpu.memref_slice %arg5[%dma_wait3A, %dma_wait3A_35] : memref<10016x128xf32, #tpu.memory_space<hbm>> -> memref<32x128xf32, #tpu.memory_space<hbm>>
          %dma_wait3A_37 = arith.constant 9984 : i32
          %dma_wait3A_38 = arith.constant 0 : i32
          %dma_wait3A_39 = tpu.memref_slice %arg9[%dma_wait3A_37, %dma_wait3A_38] : memref<10016x128xf32, #tpu.memory_space<vmem_shared>> -> memref<32x128xf32, #tpu.memory_space<vmem_shared>>
          tpu.wait_dma2 semaphore(%run_scoped3A : memref<!tpu.dma_semaphore, #tpu.memory_space<semaphore_mem>>) src(%dma_wait3A_39 : memref<32x128xf32, #tpu.memory_space<vmem_shared>>) dst(%dma_wait3A_36 : memref<32x128xf32, #tpu.memory_space<hbm>>)
          tpu.yield
        }) : () -> ()
      } else {
      }
    } else {
    }
    %eq3A_17 = arith.constant 1 : i32
    %eq3A_18 = arith.cmpi eq, %arg0, %eq3A_17 : i32
    %convert_element_type3A_19 = arith.extui %eq3A_18 : i1 to i32
    %cond3A_20 = arith.constant 0 : i32
    %cond3A_21 = arith.cmpi ne, %convert_element_type3A_19, %cond3A_20 : i32
    scf.if %cond3A_21 {
      %mul3A_22 = arith.constant 624 : i32
      %mul3A_23 = arith.muli %arg1, %mul3A_22 : i32
      %multiple_of3A_24 = tpu.assume_multiple %mul3A_23, 8 : i32
      "tpu.region"() ({
        %run_scoped3A = tpu.sem_alloc : memref<!tpu.dma_semaphore, #tpu.memory_space<semaphore_mem>>
        %dma_start3A = arith.constant 0 : i32
        %dma_start3A_30 = tpu.memref_slice %arg6[%multiple_of3A_24, %dma_start3A] : memref<10016x128xf32, #tpu.memory_space<hbm>> -> memref<624x128xf32, #tpu.memory_space<hbm>>
        %dma_start3A_31 = arith.constant 0 : i32
        %dma_start3A_32 = tpu.memref_slice %arg9[%multiple_of3A_24, %dma_start3A_31] : memref<10016x128xf32, #tpu.memory_space<vmem_shared>> -> memref<624x128xf32, #tpu.memory_space<vmem_shared>>
        tpu.enqueue_dma source(%dma_start3A_32 : memref<624x128xf32, #tpu.memory_space<vmem_shared>>) target(%dma_start3A_30 : memref<624x128xf32, #tpu.memory_space<hbm>>) target_semaphore(%run_scoped3A : memref<!tpu.dma_semaphore, #tpu.memory_space<semaphore_mem>>)
        %dma_wait3A = arith.constant 0 : i32
        %dma_wait3A_33 = tpu.memref_slice %arg6[%multiple_of3A_24, %dma_wait3A] : memref<10016x128xf32, #tpu.memory_space<hbm>> -> memref<624x128xf32, #tpu.memory_space<hbm>>
        %dma_wait3A_34 = arith.constant 0 : i32
        %dma_wait3A_35 = tpu.memref_slice %arg9[%multiple_of3A_24, %dma_wait3A_34] : memref<10016x128xf32, #tpu.memory_space<vmem_shared>> -> memref<624x128xf32, #tpu.memory_space<vmem_shared>>
        tpu.wait_dma2 semaphore(%run_scoped3A : memref<!tpu.dma_semaphore, #tpu.memory_space<semaphore_mem>>) src(%dma_wait3A_35 : memref<624x128xf32, #tpu.memory_space<vmem_shared>>) dst(%dma_wait3A_33 : memref<624x128xf32, #tpu.memory_space<hbm>>)
        tpu.yield
      }) : () -> ()
      %eq3A_25 = arith.constant 15 : i32
      %eq3A_26 = arith.cmpi eq, %arg1, %eq3A_25 : i32
      %convert_element_type3A_27 = arith.extui %eq3A_26 : i1 to i32
      %cond3A_28 = arith.constant 0 : i32
      %cond3A_29 = arith.cmpi ne, %convert_element_type3A_27, %cond3A_28 : i32
      scf.if %cond3A_29 {
        "tpu.region"() ({
          %run_scoped3A = tpu.sem_alloc : memref<!tpu.dma_semaphore, #tpu.memory_space<semaphore_mem>>
          %dma_start3A = arith.constant 9984 : i32
          %dma_start3A_30 = arith.constant 0 : i32
          %dma_start3A_31 = tpu.memref_slice %arg6[%dma_start3A, %dma_start3A_30] : memref<10016x128xf32, #tpu.memory_space<hbm>> -> memref<32x128xf32, #tpu.memory_space<hbm>>
          %dma_start3A_32 = arith.constant 9984 : i32
          %dma_start3A_33 = arith.constant 0 : i32
          %dma_start3A_34 = tpu.memref_slice %arg9[%dma_start3A_32, %dma_start3A_33] : memref<10016x128xf32, #tpu.memory_space<vmem_shared>> -> memref<32x128xf32, #tpu.memory_space<vmem_shared>>
          tpu.enqueue_dma source(%dma_start3A_34 : memref<32x128xf32, #tpu.memory_space<vmem_shared>>) target(%dma_start3A_31 : memref<32x128xf32, #tpu.memory_space<hbm>>) target_semaphore(%run_scoped3A : memref<!tpu.dma_semaphore, #tpu.memory_space<semaphore_mem>>)
          %dma_wait3A = arith.constant 9984 : i32
          %dma_wait3A_35 = arith.constant 0 : i32
          %dma_wait3A_36 = tpu.memref_slice %arg6[%dma_wait3A, %dma_wait3A_35] : memref<10016x128xf32, #tpu.memory_space<hbm>> -> memref<32x128xf32, #tpu.memory_space<hbm>>
          %dma_wait3A_37 = arith.constant 9984 : i32
          %dma_wait3A_38 = arith.constant 0 : i32
          %dma_wait3A_39 = tpu.memref_slice %arg9[%dma_wait3A_37, %dma_wait3A_38] : memref<10016x128xf32, #tpu.memory_space<vmem_shared>> -> memref<32x128xf32, #tpu.memory_space<vmem_shared>>
          tpu.wait_dma2 semaphore(%run_scoped3A : memref<!tpu.dma_semaphore, #tpu.memory_space<semaphore_mem>>) src(%dma_wait3A_39 : memref<32x128xf32, #tpu.memory_space<vmem_shared>>) dst(%dma_wait3A_36 : memref<32x128xf32, #tpu.memory_space<hbm>>)
          tpu.yield
        }) : () -> ()
      } else {
      }
    } else {
    }
    return
  }
}

</mosaic_0001>

<sc_bundles>
// kernel: _deg_call.3.cloned.1.call-start
scs
__scs_entry_jumppad:
0x0: {  	(pc) =	sbr.rel $0x88, $3  }
0x1: {  	(tag) =	ssettag $0x0;
	lr =	simm.s32 $0x1  }
0x2: {  	[smem:$0x3F9E] =	sst lr;
	_ =	strace $0xD0000000  }
0x3: {  	_ = 	snop  }
0x4: {  	_ = 	snop  }
0x5: {  	_ = 	snop  }
0x6: {  	_ = 	snop  }
0x7: {  	_ = 	snop  }
__scs_overlays_trampoline_lowered:
0x8: {  	[smem:$0x3FAD] =	sst s0  }
0x9: {  	[smem:$0x3FAE] =	sst s1  }
0xa: {  	[smem:$0x3FAF] =	sst s2  }
0xb: {  	[smem:$0x3FB0] =	sst s3  }
0xc: {  	[smem:$0x3FB1] =	sst s4  }
0xd: {  	[smem:$0x3FB2] =	sst s5  }
0xe: {  	[smem:$0x3FB3] =	sst s6  }
0xf: {  	[smem:$0x3FB4] =	sst s7  }
0x10: {  	[smem:$0x3FB5] =	sst s8  }
0x11: {  	[smem:$0x3FB6] =	sst s9;
	s0 =	simm.s32 @!p0 $0x0  }
0x12: {  	s1 =	sld [smem:$0x3F9C];
	s0 =	simm.s32 @p0 $0x1  }
0x13: {  	[smem:$0x3FB7] =	sst s0;
	s0 =	simm.s32 @!p1 $0x0  }
0x14: {  	s2 =	sld [smem:$0x3F9B];
	s0 =	simm.s32 @p1 $0x1  }
0x15: {  	[smem:$0x3FB8] =	sst s0;
	s0 =	simm.s32 @!p2 $0x0  }
0x16: {  	s3 =	sld [smem:$0x3FDB];
	s0 =	simm.s32 @p2 $0x1  }
0x17: {  	s4 =	simm.s32 $0x1BF5;
	[smem:$0x3FBA] =	sst s0  }
0x18: {  	s0 =	sld [smem:$0x3F9D];
	_ =	swait.ge [sflag:s4], $0x0  }
0x19: {  	s7 =	sld [smem:$0x3F9E]  }
0x1a: {  	s8 =	sadd.s32 $0xFFFFE003, lr  }
0x1b: {  	s9 =	sadd.s32 $0xFFFFFEF7, lr;
	s5 =	simm.s32 $0xFFFFFFFF;
	p2 =	slt.u32 s8, $0xFFFFF086  }
0x1c: {  	p1 =	slt.u32 s9, $0xF7A;
	s5 =	simm.s32 @!p2 $0x0  }
0x1d: {  	s5 =	simm.s32 @p1 $0x1;
	p0 =	seq.s32 s7, s2  }
0x1e: {  	s7 =	smul.u32 @!p0 $0xF7A, s2;
	p2 =	seq.s32 @!p0 s5, $0x0  }
0x1f: {  	s9 =	smul.u32 $0xF7A, s1;
	s8 =	simm.s32 @!p0 $0x1BF5;
	p2 =	por !p2, p0  }
0x20: {  	[sflag:s8] =	ssyncset.s32 @!p0 $0xFFFFF086;
	s6 =	sadd.s32 @!p0 s3, s7;
	s7 =	simm.s32 @!p0 $0x108  }
0x21: {  	s3 =	sadd.s32 s3, s9;
	s6 =	sadd.s32 @!p0 $0x88, s6;
	s7 =	simm.s32 @p2 $0x1082  }
0x22: {  	[simem:s7], [sflag:s8] =	dma.local @!p0 [hbm:s6], $0xF7A  }
0x23: {  	s9 =	sor.u32 $0xD0000000, s2;
	s6 =	simm.s32 $0x108;
	_ =	swait.ge @!p0 [sflag:s8], $0x0  }
0x24: {  	s3 =	sadd.s32 $0x88, s3;
	s6 =	simm.s32 @!p1 $0x1082;
	[sflag:s4] =	ssyncset.s32 $0xFFFFF086  }
0x25: {  	[simem:s6], [sflag:s4] =	dma.local [hbm:s3], $0xF7A  }
0x26: {  	[smem:$0x3F9E] =	sst s1;
	(tag) =	ssettag s2;
	_ =	strace s9  }
0x27: {  	s1 =	sld [smem:$0x3FAE]  }
0x28: {  	s2 =	sld [smem:$0x3FAF]  }
0x29: {  	s4 =	sld [smem:$0x3FB1]  }
0x2a: {  	p0 =	seq.s32 s5, $0x0;
	s5 =	sld [smem:$0x3FB2]  }
0x2b: {  	s6 =	sld [smem:$0x3FB3]  }
0x2c: {  	s7 =	sld [smem:$0x3FB4]  }
0x2d: {  	s3 =	simm.s32 $0x108;
	s8 =	sld [smem:$0x3FB5]  }
0x2e: {  	s3 =	simm.s32 @!p0 $0x1082;
	s9 =	sld [smem:$0x3FB6]  }
0x2f: {  	lr =	sadd.s32 s0, s3;
	s0 =	sld [smem:$0x3FAD]  }
0x30: {  	s3 =	sld [smem:$0x3FB0]  }
0x31: {  	[smem:$0x3FB9] =	sst s10  }
0x32: {  	s10 =	sld [smem:$0x3FB7];
	_ =	sdelay $0x3  }
0x33: {  	p0 =	seq.s32 s10, $0x1;
	s10 =	sld [smem:$0x3FB9];
	_ =	sdelay $0x3  }
0x34: {  	[smem:$0x3FB9] =	sst s10  }
0x35: {  	s10 =	sld [smem:$0x3FB8];
	_ =	sdelay $0x3  }
0x36: {  	p1 =	seq.s32 s10, $0x1;
	s10 =	sld [smem:$0x3FB9];
	_ =	sdelay $0x3  }
0x37: {  	[smem:$0x3FB9] =	sst s10  }
0x38: {  	s10 =	sld [smem:$0x3FBA]  }
0x39: {  	_ = 	snop;
	(pc) =	sbr.ind lr, $3  }
0x3a: {  	_ = 	snop  }
0x3b: {  	_ = 	snop  }
0x3c: {  	p2 =	seq.s32 s10, $0x1;
	s10 =	sld [smem:$0x3FB9]  }
0x3d: {  	_ =	shalt  }
0x3e: {  	_ =	shalt  }
0x3f: {  	_ =	shalt  }
0x40: {  	_ =	shalt  }
0x41: {  	_ =	shalt  }
0x42: {  	_ =	shalt  }
0x43: {  	_ =	shalt  }
0x44: {  	_ =	shalt  }
0x45: {  	_ =	shalt  }
0x46: {  	_ =	shalt  }
0x47: {  	_ =	shalt  }
0x48: {  	_ =	shalt  }
0x49: {  	_ =	shalt  }
0x4a: {  	_ =	shalt  }
0x4b: {  	_ =	shalt  }
0x4c: {  	_ =	shalt  }
0x4d: {  	_ =	shalt  }
0x4e: {  	_ =	shalt  }
0x4f: {  	_ =	shalt  }
0x50: {  	_ =	shalt  }
0x51: {  	_ =	shalt  }
0x52: {  	_ =	shalt  }
0x53: {  	_ =	shalt  }
0x54: {  	_ =	shalt  }
0x55: {  	_ =	shalt  }
0x56: {  	_ =	shalt  }
0x57: {  	_ =	shalt  }
0x58: {  	_ =	shalt  }
0x59: {  	_ =	shalt  }
0x5a: {  	_ =	shalt  }
0x5b: {  	_ =	shalt  }
0x5c: {  	_ =	shalt  }
0x5d: {  	_ =	shalt  }
0x5e: {  	_ =	shalt  }
0x5f: {  	_ =	shalt  }
0x60: {  	_ =	shalt  }
0x61: {  	_ =	shalt  }
0x62: {  	_ =	shalt  }
0x63: {  	_ =	shalt  }
0x64: {  	_ =	shalt  }
0x65: {  	_ =	shalt  }
0x66: {  	_ =	shalt  }
0x67: {  	_ =	shalt  }
0x68: {  	_ =	shalt  }
0x69: {  	_ =	shalt  }
0x6a: {  	_ =	shalt  }
0x6b: {  	_ =	shalt  }
0x6c: {  	_ =	shalt  }
0x6d: {  	_ =	shalt  }
0x6e: {  	_ =	shalt  }
0x6f: {  	_ =	shalt  }
0x70: {  	_ =	shalt  }
0x71: {  	_ =	shalt  }
0x72: {  	_ =	shalt  }
0x73: {  	_ =	shalt  }
0x74: {  	_ =	shalt  }
0x75: {  	_ =	shalt  }
0x76: {  	_ =	shalt  }
0x77: {  	_ =	shalt  }
0x78: {  	_ =	shalt  }
0x79: {  	_ =	shalt  }
0x7a: {  	_ =	shalt  }
0x7b: {  	_ =	shalt  }
0x7c: {  	_ =	shalt  }
0x7d: {  	_ =	shalt  }
0x7e: {  	_ =	shalt  }
0x7f: {  	_ =	shalt  }
0x80: {  	_ =	shalt  }
0x81: {  	_ =	shalt  }
0x82: {  	_ =	shalt  }
0x83: {  	_ =	shalt  }
0x84: {  	_ =	shalt  }
0x85: {  	_ =	shalt  }
0x86: {  	_ =	shalt  }
0x87: {  	_ =	shalt  }
.Lfunc_end0:
.L_simem_size_0:
called_computation_lowered:
.L_overlay_start_0:
0x88: {  	s2 =	sld [smem:$0x3FD9]  }
0x89: {  	s3 =	sld [smem:$0x3FFE];
	_ =	sdelay $0x1  }
0x8a: {  	s1 =	srdreg.scid  }
0x8b: {  	s0 =	sand.u32 $0x1, s1  }
0x8c: {  	s15 =	sshll.u32 s0, $0xA;
	s2 =	sadd.s32 s3, s2  }
0x8d: {  	s2 =	sadd.s32 s2, s15  }
0x8e: {  	[smem:$0x3FC5] =	sst s2  }
0x8f: {  	_ = 	snop  }
0x90: {  	s2 =	sld [smem:$0x3FD0]  }
0x91: {  	s16 =	sld [smem:$0x3FC9]  }
0x92: {  	s4 =	sld [smem:$0x3FC8]  }
0x93: {  	s6 =	simm.s32 $0xA;
	s7 =	simm.s32 $0x10;
	s5 =	sld [smem:$0x3FC7]  }
0x94: {  	[smem:s7], [sflag:s6] =	dma.local [hbm:s2], $0x1  }
0x95: {  	_ =	swait.eq [sflag:s6], $0x1  }
0x96: {  	[sflag:s6] =	ssyncset.done $0x0  }
0x97: {  	s17 =	sld [smem:$0x10];
	[sflag:s6] =	ssyncadd.s32 $0xFFFFFFFF  }
0x98: {  	s18 =	sld [smem:$0x11];
	(tm) =	ssettm $0x1  }
0x99: {  	s19 =	sld [smem:$0x3FFB];
	_ =	sdelay $0x3  }
0x9a: {  	_ =	strace s19  }
0x9b: {  	s7 =	sld [smem:$0x3FFC];
	_ =	sdelay $0x3  }
0x9c: {  	_ =	strace s7  }
0x9d: {  	s7 =	sld [smem:$0x3FFD];
	_ =	sdelay $0x3  }
0x9e: {  	_ =	strace s7  }
0x9f: {  	_ =	strace $0x8FFFFFFF  }
0xa0: {  	s20 =	sld [smem:$0x3FDB];
	_ =	sdelay $0x1  }
0xa1: {  	s8 =	simm.s32 $_scs_section_size  }
0xa2: {  	s9 =	simm.s32 $_size__tile_overlayer_lowered;
	s10 =	simm.s32 $_tile_overlayer_lowered  }
0xa3: {  	s23 =	simm.s32 $0x1BFF;
	s22 =	sshll.u32 s10, $0x1;
	s7 =	sadd.s32 s8, s20  }
0xa4: {  	s11 =	simm.s32 $0x0;
	s21 =	sshll.u32 s9, $0x1;
	s9 =	sadd.s32 s22, s7  }
0xa5: {  	[timem:s11], [sflag:s23] =	dma.local [hbm:s9], s21  }
0xa6: {  	_ =	swait.ge [sflag:s23], s21  }
0xa7: {  	s8 =	ssub.s32 $0x0, s21;
	[sflag:s23] =	ssyncset.done $0x0  }
0xa8: {  	[sflag:s23] =	ssyncadd.s32 s8;
	_ =	sdelay $0x1  }
0xa9: {  	s24 =	simm.s32 $0x1B8B  }
0xaa: {  	_ =	swait.ge [sflag:s24], $0x1  }
0xab: {  	[sflag:s24] =	ssyncset.done $0x0  }
0xac: {  	s25 =	simm.s32 $0x1B8E;
	[sflag:s24] =	ssyncadd.s32 $0xFFFFFFFF  }
0xad: {  	s26 =	simm.s32 $execute0_lowered;
	[smem:$0x3FD2] =	sst s25  }
0xae: {  	s8 =	sshll.u32 s26, $0x1;
	_ =	strace $0x80000046;
	[dreg:$0x1] =	wrdreg $0xFFFFFFFF  }
0xaf: {  	s28 =	simm.s32 $_size_execute0_lowered;
	s7 =	sadd.s32 s7, s8;
	[dreg:$0x0] =	wrdreg $0x0  }
0xb0: {  	s8 =	sshll.u32 s28, $0x1;
	[dreg:$0x2] =	wrdreg s7  }
0xb1: {  	[dreg:$0x3] =	wrdreg s8  }
0xb2: {  	[dreg:$0x4] =	wrdreg $0xC0  }
0xb3: {  	_ =	task [dreg:s11], $0x5FFFF  }
0xb4: {  	[dreg:$0x1] =	wrdreg $0xFFFFFFFF  }
0xb5: {  	[dreg:$0x0] =	wrdreg $0x60  }
0xb6: {  	[dreg:$0x2] =	wrdreg s16  }
0xb7: {  	[dreg:$0x3] =	wrdreg s4  }
0xb8: {  	[dreg:$0x4] =	wrdreg s5  }
0xb9: {  	[dreg:$0x5] =	wrdreg s17  }
0xba: {  	[dreg:$0x6] =	wrdreg s18  }
0xbb: {  	[dreg:$0x7] =	wrdreg $0x40800  }
0xbc: {  	[dreg:$0x8] =	wrdreg $0x9  }
0xbd: {  	_ =	task.clear_ibuf [dreg:s11], $0x9FFFF;
	_ =	strace $0x90000046  }
0xbe: {  	s29 =	simm.s32 $0x9;
	_ =	strace $0x80000048  }
0xbf: {  	_ =	swait.ge [sflag:s29], $0x1  }
0xc0: {  	[sflag:s29] =	ssyncadd.s32 $0xFFFFFFFF  }
0xc1: {  	_ =	strace $0x90000048  }
0xc2: {  	_ =	sfence  }
0xc3: {  	s30 =	sld [smem:$0x0];
	_ =	sdelay $0x2  }
0xc4: {  	s31 =	sshll.u32 s1, $0xD;
	s1 =	sshrl.u32 s1, $0x2  }
0xc5: {  	s3 =	sand.u32 $0x4000, s31;
	s1 =	sadd.s32 s1, s30  }
0xc6: {  	s0 =	sor.u32 s3, s0;
	s1 =	sshll.u32 s1, $0x11  }
0xc7: {  	s0 =	sor.u32 s1, s0  }
0xc8: {  	s0 =	sadd.s32 $0x8F2B, s0  }
0xc9: {  	[sflag:s0] =	ssyncadd.remote.s32 $0x1  }
0xca: {  	_ =	sfence.sel $0xFFFF  }
0xcb: {  	[dreg:$0x0] =	wrdreg $0xFFFFFFFF;
	(pc) =	sbr.abs _section_cstart, $3  }
0xcc: {  	[dreg:$0x1] =	wrdreg $0xFFFFFFFF  }
0xcd: {  	_ =	task.clear_ibuf [dreg:s11], $0x2FFFF;
	_ =	strace $0x9FFFFFFF  }
0xce: {  	(tm) =	ssettm $0x7FFFFFFF  }
0xcf: {  	_ =	shalt  }
tec
execute0_lowered:
.L_overlay_start_1:
0x0: {  	(tag) =	ssettag $0x1  }
0x1: {  	s13 =	rddreg [dreg:$0x0]  }
0x2: {  	s1 =	rddreg [dreg:$0x1]  }
0x3: {  	s9 =	rddreg [dreg:$0x2]  }
0x4: {  	s2 =	rddreg [dreg:$0x3]  }
0x5: {  	s3 =	rddreg [dreg:$0x4]  }
0x6: {  	s5 =	rddreg [dreg:$0x5]  }
0x7: {  	s0 =	rddreg [dreg:$0x6]  }
0x8: {  	s7 =	srdreg.scid;
	s4 =	stileid.u32  }
0x9: {  	s6 =	simm.s32 $0x0;
	s19 =	simm.s32 $0x0;
	s8 =	smul.u32 $0x4E000, s4  }
0xa: {  	s10 =	sand.u32 $0x1, s7;
	[smem:$0x7FF] =	sst s6;
	s12 =	smul.u32 $0x2700, s4  }
0xb: {  	s31 =	sshll.u32 s4, $0x6;
	s18 =	sadd.s32 $0x138000, s5;
	s17 =	smul.u32 $0x280, s4  }
0xc: {  	p1 =	sne.s32 s4, $0xF;
	p2 =	seq.s32 s4, $0xF;
	s7 =	ssub.s32 $0x2, s10  }
0xd: {  	_ =	strace $0x80000047;
	s16 =	smul.u32 $0x2800, s10;
	p0 =	seq.s32 s10, $0x1  }
0xe: {  	s11 =	sshrl.u32 s7, $0x1;
	s30 =	sshrl.u32 s8, $0x2;
	s8 =	sor.u32 $0x1C01, s31  }
.Ltmp0:
0xf: {  	s10 =	sadd.s32 s2, s12;
	s14 =	ssub.s32 s7, s11;
	(pc) =	sbr.rel .LBB2_1-.Ltmp0, $4  }
0x10: {  	s15 =	sadd.s32 s30, s5;
	s7 =	sadd.s32 s9, s12;
	s9 =	sadd.s32 $0x27000, s9  }
0x11: {  	s11 =	sadd.s32 s3, s12;
	s13 =	sadd.s32 s16, s13;
	s16 =	sshrl.u32 @!p1 s18, $0x3  }
0x12: {  	s18 =	sshrl.u32 s18, $0x3;
	s12 =	smax.u32 s14, $0x1;
	s13 =	sadd.s32 s17, s13  }
0x13: {  	s14 =	sshrl.u32 s15, $0x3;
	s15 =	simm.s32 $0x1;
	s17 =	simm.s32 $0x80  }
.LBB2_6:
0x14: {  	s20 =	sadd.s32 $0x27000, s20  }
0x15: {  	[hbm:s20], [sflag:s8] =	dma.local [spmem:s18], $0x200  }
0x16: {  	_ =	swait.ge [sflag:s15], $0x200  }
0x17: {  	[sflag:s15] =	ssyncset.done $0x0  }
0x18: {  	[sflag:s15] =	ssyncadd.s32 $0xFFFFFE00  }
.LBB2_7:
0x19: {  	s19 =	sadd.s32 $0x1, s19  }
0x1a: {  	p3 =	sne.s32 s19, s12  }
.Ltmp1:
0x1b: {  	_ = 	snop;
	(pc) =	sbr.rel @!p3 .LBB2_8-.Ltmp1, $1  }
0x1c: {  	_ =	sdelay $0x3  }
.LBB2_1:
0x1d: {  	[spmem:s14], [sflag:s8] =	dma.local [hbm:s7], $0x2700  }
0x1e: {  	_ =	swait.ge [sflag:s15], $0x2700  }
0x1f: {  	[sflag:s15] =	ssyncset.done $0x0  }
0x20: {  	s20 =	simm.s32 @!p1 $0x1;
	[sflag:s15] =	ssyncadd.s32 $0xFFFFD900  }
0x21: {  	[spmem:s16], [sflag:s8] =	dma.local @!p1 [hbm:s9], $0x200  }
0x22: {  	_ =	swait.ge @!p1 [sflag:s20], $0x200  }
0x23: {  	[sflag:s20] =	ssyncset.done @!p1 $0x0  }
0x24: {  	[sflag:s20] =	ssyncadd.s32 @!p1 $0xFFFFFE00  }
0x25: {  	[tilespmem:s17], [sflag:$0x1] =	stream.linear.gather [hbm4b:s1+s6], $0x4000, $0x38;
	[tilespmem:$0x17980] =	vst v63  }
0x26: {  	_ =	swait.ge [sflag:s15], $0x4000  }
0x27: {  	[sflag:s15] =	ssyncset.done $0x0  }
0x28: {  	[sflag:s15] =	ssyncadd.s32 $0xFFFFC000  }
0x29: {  	s31 =	sadd.s32 $0x0, s13;
	[bflag:$0x0] =	sbarrier.arrive $0xFFFF  }
0x2a: {  	[tilespmem:s6], [sflag:$0x1] =	stream.linear.gather [hbm4b:s31+s6], $0x80, $0x38;
	[tilespmem:$0x17980] =	vst v63  }
0x2b: {  	_ =	swait.ge [sflag:s15], $0x80  }
0x2c: {  	[sflag:s15] =	ssyncset.done $0x0  }
0x2d: {  	[sflag:s15] =	ssyncadd.s32 $0xFFFFFF80  }
0x2e: {  	[spmem:s5] =	stream.indirect.scatter.add.f32 [tilespmem:s17], [sflag:$0x1], $0x80, s6, s17, $0xb8;
	[tilespmem:$0x17980] =	vst v63  }
0x2f: {  	_ =	swait.ge [sflag:s15], $0x4000  }
0x30: {  	s21 =	simm.s32 $0x20;
	s20 =	simm.s32 $0x10;
	[sflag:s15] =	ssyncset.done $0x0  }
.LBB2_2:
0x31: {  	s22 =	sadd.s32 s20, s13  }
0x32: {  	[sflag:s15] =	ssyncadd.s32 $0xFFFFC000;
	s20 =	smov.u32 s21;
	s23 =	sadd.s32 $0x10, s21  }
0x33: {  	[tilespmem:s6], [sflag:$0x1] =	stream.linear.gather [hbm4b:s22+s6], $0x80, $0x38;
	[tilespmem:$0x17980] =	vst v63  }
0x34: {  	p3 =	sne.s32 s21, $0x270;
	_ =	swait.ge [sflag:s15], $0x80  }
.Ltmp2:
0x35: {  	[sflag:s15] =	ssyncset.done $0x0;
	(pc) =	sbr.rel @p3 .LBB2_2-.Ltmp2, $4  }
0x36: {  	[sflag:s15] =	ssyncadd.s32 $0xFFFFFF80  }
0x37: {  	[spmem:s5] =	stream.indirect.scatter.add.f32 [tilespmem:s17], [sflag:$0x1], $0x80, s6, s17, $0xb8;
	[tilespmem:$0x17980] =	vst v63  }
0x38: {  	_ =	swait.ge [sflag:s15], $0x4000  }
0x39: {  	s21 =	smov.u32 s23;
	[sflag:s15] =	ssyncset.done $0x0  }
0x3a: {  	s20 =	sadd.s32 s20, s13;
	[sflag:s15] =	ssyncadd.s32 $0xFFFFC000  }
0x3b: {  	[tilespmem:s6], [sflag:$0x1] =	stream.linear.gather [hbm4b:s20+s6], $0x80, $0x38;
	[tilespmem:$0x17980] =	vst v63  }
0x3c: {  	_ =	swait.ge [sflag:s15], $0x80  }
0x3d: {  	[sflag:s15] =	ssyncset.done $0x0  }
0x3e: {  	[sflag:s15] =	ssyncadd.s32 $0xFFFFFF80  }
0x3f: {  	[spmem:s5] =	stream.indirect.scatter.add.f32 [tilespmem:s17], [sflag:$0x1], $0x80, s6, s17, $0xb8;
	[tilespmem:$0x17980] =	vst v63  }
.Ltmp3:
0x40: {  	_ =	swait.ge [sflag:s15], $0x4000;
	(pc) =	sbr.rel @!p0 .LBB2_4-.Ltmp3, $3  }
0x41: {  	[sflag:s15] =	ssyncset.done $0x0  }
0x42: {  	[sflag:s15] =	ssyncadd.s32 $0xFFFFC000  }
0x43: {  	[bflag:$0x0] =	sbarrier.arrive $0xFFFF;
	_ =	sdelay $0x1  }
0x44: {  	[hbm:s11], [sflag:s8] =	dma.local [spmem:s14], $0x2700  }
.Ltmp4:
0x45: {  	_ = 	snop;
	(pc) =	sbr.rel @p1 .LBB2_7-.Ltmp4, $4  }
.Ltmp5:
0x46: {  	_ = 	snop;
	(pc) =	sbr.rel @!p1 .LBB2_6-.Ltmp5, $4  }
0x47: {  	_ =	swait.ge [sflag:s15], $0x2700  }
0x48: {  	[sflag:s15] =	ssyncset.done $0x0  }
0x49: {  	s20 =	smov.u32 s3;
	[sflag:s15] =	ssyncadd.s32 $0xFFFFD900  }
0x4a: {  	_ = 	snop  }
.LBB2_4:
0x4b: {  	[hbm:s10], [sflag:s8] =	dma.local [spmem:s14], $0x2700  }
.Ltmp6:
0x4c: {  	_ = 	snop;
	(pc) =	sbr.rel @p2 .LBB2_6-.Ltmp6, $4  }
.Ltmp7:
0x4d: {  	_ = 	snop;
	(pc) =	sbr.rel @!p2 .LBB2_7-.Ltmp7, $4  }
0x4e: {  	_ =	swait.ge [sflag:s15], $0x2700  }
0x4f: {  	[sflag:s15] =	ssyncset.done $0x0  }
0x50: {  	s20 =	smov.u32 s2;
	[sflag:s15] =	ssyncadd.s32 $0xFFFFD900  }
0x51: {  	_ = 	snop  }
.LBB2_8:
0x52: {  	_ =	sfence.sel $0x180000  }
0x53: {  	[bflag:$0x0] =	sbarrier.arrive $0xFFFF  }
0x54: {  	p0 =	sne.s32 s4, $0x0;
	_ =	strace $0x90000047  }
0x55: {  	s0 =	sadd.s32 @!p0 $0x100000, s0;
	[bflag:$0x2] =	sbarrier.arrive $0xFFFF  }
0x56: {  	[sflag:s0] =	ssyncadd.tile.s32 @!p0 $0x1;
	_ =	shalt  }
.Lfunc_end2:
_tile_overlayer_lowered:
.L_overlay_start_2:
0x57: {  	(tag) =	ssettag $0x2  }
0x58: {  	s0 =	rddreg [dreg:$0x0];
	s2 =	stileid.u32  }
0x59: {  	s1 =	rddreg [dreg:$0x1];
	p0 =	sne.s32 s2, $0x0  }
0x5a: {  	s3 =	rddreg [dreg:$0x2];
	[bflag:$0x3] =	sbarrier.arrive $0xFFFF;
	s2 =	simm.s32 @!p0 $0x1C01  }
0x5b: {  	[timem:s3], [sflag:s2] =	dma.local @!p0 [hbm:s0], s1  }
0x5c: {  	s0 =	simm.s32 @!p0 $0x1  }
0x5d: {  	_ =	swait.ge @!p0 [sflag:s0], s1  }
0x5e: {  	s1 =	ssub.s32 @!p0 $0x0, s1;
	[sflag:s0] =	ssyncset.done @!p0 $0x0  }
0x5f: {  	[sflag:s0] =	ssyncadd.s32 @!p0 s1  }
0x60: {  	[bflag:$0x3] =	sbarrier.arrive $0xFFFF  }
0x61: {  	_ =	shalt  }

</sc_bundles>
